<compile_context>
chip_gen: v7x
topology: tpu7x:2x2x1
jax: 0.10.2.dev20260603
libtpu: 0.0.44.dev20260713+nightly
codegen_flags: <defaults>
</compile_context>

<pallas_src>
import functools

import jax
import jax.numpy as jnp
from jax import lax
from jax.experimental import pallas as pl
from jax.experimental.pallas import tpu as pltpu
from jax.experimental.pallas import tpu_sc as plsc

RATIO = 0.75


@functools.lru_cache(maxsize=None)
def _make_gather(num_rows, C, NC, NS, n_chunks, chunk):
    NW = NC * NS
    mesh = plsc.VectorSubcoreMesh(core_axis_name="c", subcore_axis_name="s")

    @functools.partial(
        pl.kernel,
        mesh=mesh,
        out_type=jax.ShapeDtypeStruct((num_rows, C), jnp.float32),
        scratch_types=[
            pltpu.VMEM((n_chunks, chunk), jnp.int32),
            pltpu.VMEM((chunk, C), jnp.float32),
            pltpu.VMEM((chunk, C), jnp.float32),
            pltpu.SemaphoreType.DMA,
            pltpu.SemaphoreType.DMA,
        ],
    )
    def gather_k(table_hbm, idx_hbm, out_hbm, idx_v, buf0, buf1, gsem, ssem):
        bufs = (buf0, buf1)
        wid = lax.axis_index("s") * NC + lax.axis_index("c")
        pltpu.sync_copy(idx_hbm.at[wid], idx_v)
        base = wid * (n_chunks * chunk)
        gathers = [None] * n_chunks
        scatters = [None] * n_chunks
        gathers[0] = pltpu.async_copy(table_hbm.at[idx_v.at[0]], bufs[0], gsem)
        for c in range(n_chunks):
            gathers[c].wait()
            scatters[c] = pltpu.async_copy(
                bufs[c % 2], out_hbm.at[pl.ds(base + c * chunk, chunk)], ssem
            )
            if c + 1 < n_chunks:
                if c >= 1:
                    scatters[c - 1].wait()
                gathers[c + 1] = pltpu.async_copy(
                    table_hbm.at[idx_v.at[c + 1]], bufs[(c + 1) % 2], gsem
                )
        if n_chunks >= 2:
            scatters[n_chunks - 2].wait()
        scatters[n_chunks - 1].wait()

    return gather_k


def kernel(patches):
    T, B, C = patches.shape
    remain_T = int(T * (1 - RATIO))
    perm_key = jax.random.key(42)
    keys = jax.random.split(perm_key, B)
    fwd = jnp.stack([jax.random.permutation(k, T) for k in keys], axis=-1)
    bwd = jnp.argsort(fwd, axis=0)

    src = fwd[:remain_T] * B + jnp.arange(B, dtype=jnp.int32)[None, :]
    num_rows = remain_T * B

    info = plsc.get_sparse_core_info()
    NC, NS = info.num_cores, info.num_subcores
    NW = NC * NS
    rows_per_w = num_rows // NW
    assert rows_per_w * NW == num_rows
    chunk = 72
    n_chunks = rows_per_w // chunk
    assert n_chunks * chunk == rows_per_w

    idx3 = src.reshape(NW, n_chunks, chunk).astype(jnp.int32)
    table = patches.reshape(T * B, C)
    out_flat = _make_gather(num_rows, C, NC, NS, n_chunks, chunk)(table, idx3)
    return out_flat.reshape(remain_T, B, C), fwd, bwd

# --- scband reference (transcript-rebuilt; emitter-appended) ---
"""Pipeline reference for scband-patch-shuffle-22007412424853 (READ-ONLY COPY).

The authoritative reference and input builder live on the scoring server;
editing this copy changes nothing except your own understanding.
"""

import jax, jax.numpy as jnp
import numpy as np

RATIO = 0.75

def setup_inputs(seed: int = 0) -> dict:
    key = jax.random.key(seed)
    patches = jax.random.normal(key, (576, 64, 768), dtype=jnp.float32)
    return {"patches": patches}

def reference(patches):
    T, B, C = patches.shape
    # deterministic per-sample random permutations (stands in for np.random.shuffle per batch element)
    perm_key = jax.random.key(42)
    keys = jax.random.split(perm_key, B)
    forward_indexes = jnp.stack([jax.random.permutation(k, T) for k in keys], axis=-1)  # [T, B]
    backward_indexes = jnp.argsort(forward_indexes, axis=0)  # [T, B]
    # take_indexes: gather along dim 0 with indexes broadcast over channel dim
    idx = jnp.broadcast_to(forward_indexes[:, :, None], (T, B, C))
    shuffled = jnp.take_along_axis(patches, idx, axis=0)
    remain_T = int(T * (1 - RATIO))
    out_patches = shuffled[:remain_T]
    return (out_patches, forward_indexes, backward_indexes)

if __name__ == "__main__":
    import jax
    _d = setup_inputs()
    print(jax.jit(kernel)(*tuple(_d.values())))

</pallas_src>

<mosaic_0001>
#map = affine_map<(d0, d1) -> (0, 0)>
#map1 = affine_map<(d0, d1) -> (0, 0, 0)>
module attributes {stable_mosaic.version = 14 : i64} {
  func.func @gather_k(%arg0: i32, %arg1: i32, %arg2: memref<36864x768xf32, #tpu.memory_space<hbm>>, %arg3: memref<32x4x72xi32, #tpu.memory_space<hbm>>, %arg4: memref<9216x768xf32, #tpu.memory_space<hbm>>, %arg5: memref<4x72xi32, #tpu.memory_space<vmem>>, %arg6: memref<72x768xf32, #tpu.memory_space<vmem>>, %arg7: memref<72x768xf32, #tpu.memory_space<vmem>>, %arg8: memref<!tpu.dma_semaphore, #tpu.memory_space<semaphore_mem>>, %arg9: memref<!tpu.dma_semaphore, #tpu.memory_space<semaphore_mem>>) attributes {dimension_semantics = [#tpu.dimension_semantics<core_parallel>, #tpu.dimension_semantics<subcore_parallel>], iteration_bounds = array<i64: 2, 16>, scalar_prefetch = 0 : i64, scratch_operands = 5 : i64, tpu.core_type = #tpu.core_type<sc_vector_subcore>, window_params = [{transform_indices = #map}, {transform_indices = #map1}, {transform_indices = #map}]} {
    %mul3A = arith.constant 2 : i32
    %mul3A_0 = arith.muli %arg1, %mul3A : i32
    %add3A = arith.addi %mul3A_0, %arg0 : i32
    "tpu.region"() ({
      %run_scoped3A = tpu.sem_alloc : memref<!tpu.dma_semaphore, #tpu.memory_space<semaphore_mem>>
      %dma_start3A_97 = arith.constant 0 : i32
      %dma_start3A_98 = arith.constant 0 : i32
      %dma_start3A_99 = tpu.memref_slice %arg3[%add3A, %dma_start3A_97, %dma_start3A_98] : memref<32x4x72xi32, #tpu.memory_space<hbm>> -> memref<1x4x72xi32, #tpu.memory_space<hbm>>
      %dma_start3A_100 = tpu.memref_squeeze %dma_start3A_99 : memref<1x4x72xi32, #tpu.memory_space<hbm>> -> memref<4x72xi32, #tpu.memory_space<hbm>>
      %dma_start3A_101 = arith.constant 0 : i32
      %dma_start3A_102 = arith.constant 0 : i32
      %dma_start3A_103 = tpu.memref_slice %arg3[%add3A, %dma_start3A_101, %dma_start3A_102] : memref<32x4x72xi32, #tpu.memory_space<hbm>> -> memref<1x4x72xi32, #tpu.memory_space<hbm>>
      %dma_start3A_104 = tpu.memref_squeeze %dma_start3A_103 : memref<1x4x72xi32, #tpu.memory_space<hbm>> -> memref<4x72xi32, #tpu.memory_space<hbm>>
      tpu.enqueue_dma source(%dma_start3A_104 : memref<4x72xi32, #tpu.memory_space<hbm>>) target(%arg5 : memref<4x72xi32, #tpu.memory_space<vmem>>) target_semaphore(%run_scoped3A : memref<!tpu.dma_semaphore, #tpu.memory_space<semaphore_mem>>)
      %dma_wait3A_105 = arith.constant 0 : i32
      %dma_wait3A_106 = arith.constant 0 : i32
      %dma_wait3A_107 = tpu.memref_slice %arg3[%add3A, %dma_wait3A_105, %dma_wait3A_106] : memref<32x4x72xi32, #tpu.memory_space<hbm>> -> memref<1x4x72xi32, #tpu.memory_space<hbm>>
      %dma_wait3A_108 = tpu.memref_squeeze %dma_wait3A_107 : memref<1x4x72xi32, #tpu.memory_space<hbm>> -> memref<4x72xi32, #tpu.memory_space<hbm>>
      %dma_wait3A_109 = arith.constant 0 : i32
      %dma_wait3A_110 = arith.constant 0 : i32
      %dma_wait3A_111 = tpu.memref_slice %arg3[%add3A, %dma_wait3A_109, %dma_wait3A_110] : memref<32x4x72xi32, #tpu.memory_space<hbm>> -> memref<1x4x72xi32, #tpu.memory_space<hbm>>
      %dma_wait3A_112 = tpu.memref_squeeze %dma_wait3A_111 : memref<1x4x72xi32, #tpu.memory_space<hbm>> -> memref<4x72xi32, #tpu.memory_space<hbm>>
      tpu.wait_dma2 semaphore(%run_scoped3A : memref<!tpu.dma_semaphore, #tpu.memory_space<semaphore_mem>>) src(%dma_wait3A_112 : memref<4x72xi32, #tpu.memory_space<hbm>>) dst(%arg5 : memref<4x72xi32, #tpu.memory_space<vmem>>)
      tpu.yield
    }) : () -> ()
    %mul3A_1 = arith.constant 288 : i32
    %mul3A_2 = arith.muli %add3A, %mul3A_1 : i32
    %dma_start3A = arith.constant 0 : i32
    %dma_start3A_3 = arith.constant 0 : i32
    %dma_start3A_4 = tpu.memref_slice %arg5[%dma_start3A, %dma_start3A_3] : memref<4x72xi32, #tpu.memory_space<vmem>> -> memref<1x72xi32, #tpu.memory_space<vmem>>
    %dma_start3A_5 = tpu.memref_squeeze %dma_start3A_4 : memref<1x72xi32, #tpu.memory_space<vmem>> -> memref<72xi32, #tpu.memory_space<vmem>>
    %dma_start3A_6 = arith.constant 0 : i32
    %dma_start3A_7 = arith.constant 0 : i32
    %dma_start3A_8 = tpu.memref_slice %arg2[%dma_start3A_6, %dma_start3A_7] : memref<36864x768xf32, #tpu.memory_space<hbm>> -> memref<36864x768xf32, #tpu.memory_space<hbm>>
    tpu.enqueue_indirect_dma source(%dma_start3A_8 : memref<36864x768xf32, #tpu.memory_space<hbm>>) target(%arg6 : memref<72x768xf32, #tpu.memory_space<vmem>>) offsets(%dma_start3A_5 : memref<72xi32, #tpu.memory_space<vmem>>) semaphore(%arg8 : memref<!tpu.dma_semaphore, #tpu.memory_space<semaphore_mem>>)
    %dma_wait3A = arith.constant 0 : i32
    %dma_wait3A_9 = arith.constant 0 : i32
    %dma_wait3A_10 = tpu.memref_slice %arg5[%dma_wait3A, %dma_wait3A_9] : memref<4x72xi32, #tpu.memory_space<vmem>> -> memref<1x72xi32, #tpu.memory_space<vmem>>
    %dma_wait3A_11 = tpu.memref_squeeze %dma_wait3A_10 : memref<1x72xi32, #tpu.memory_space<vmem>> -> memref<72xi32, #tpu.memory_space<vmem>>
    %dma_wait3A_12 = arith.constant 0 : i32
    %dma_wait3A_13 = arith.constant 0 : i32
    %dma_wait3A_14 = tpu.memref_slice %arg2[%dma_wait3A_12, %dma_wait3A_13] : memref<36864x768xf32, #tpu.memory_space<hbm>> -> memref<36864x768xf32, #tpu.memory_space<hbm>>
    tpu.wait_indirect_dma semaphore(%arg8 : memref<!tpu.dma_semaphore, #tpu.memory_space<semaphore_mem>>) src(%dma_wait3A_14 : memref<36864x768xf32, #tpu.memory_space<hbm>>) dst(%arg6 : memref<72x768xf32, #tpu.memory_space<vmem>>)
    %add3A_15 = arith.constant 0 : i32
    %add3A_16 = arith.addi %mul3A_2, %add3A_15 : i32
    %dma_start3A_17 = arith.constant 0 : i32
    %dma_start3A_18 = tpu.memref_slice %arg4[%add3A_16, %dma_start3A_17] : memref<9216x768xf32, #tpu.memory_space<hbm>> -> memref<72x768xf32, #tpu.memory_space<hbm>>
    %dma_start3A_19 = arith.constant 0 : i32
    %dma_start3A_20 = tpu.memref_slice %arg4[%add3A_16, %dma_start3A_19] : memref<9216x768xf32, #tpu.memory_space<hbm>> -> memref<72x768xf32, #tpu.memory_space<hbm>>
    tpu.enqueue_dma source(%arg6 : memref<72x768xf32, #tpu.memory_space<vmem>>) target(%dma_start3A_20 : memref<72x768xf32, #tpu.memory_space<hbm>>) target_semaphore(%arg9 : memref<!tpu.dma_semaphore, #tpu.memory_space<semaphore_mem>>)
    %dma_start3A_21 = arith.constant 1 : i32
    %dma_start3A_22 = arith.constant 0 : i32
    %dma_start3A_23 = tpu.memref_slice %arg5[%dma_start3A_21, %dma_start3A_22] : memref<4x72xi32, #tpu.memory_space<vmem>> -> memref<1x72xi32, #tpu.memory_space<vmem>>
    %dma_start3A_24 = tpu.memref_squeeze %dma_start3A_23 : memref<1x72xi32, #tpu.memory_space<vmem>> -> memref<72xi32, #tpu.memory_space<vmem>>
    %dma_start3A_25 = arith.constant 0 : i32
    %dma_start3A_26 = arith.constant 0 : i32
    %dma_start3A_27 = tpu.memref_slice %arg2[%dma_start3A_25, %dma_start3A_26] : memref<36864x768xf32, #tpu.memory_space<hbm>> -> memref<36864x768xf32, #tpu.memory_space<hbm>>
    tpu.enqueue_indirect_dma source(%dma_start3A_27 : memref<36864x768xf32, #tpu.memory_space<hbm>>) target(%arg7 : memref<72x768xf32, #tpu.memory_space<vmem>>) offsets(%dma_start3A_24 : memref<72xi32, #tpu.memory_space<vmem>>) semaphore(%arg8 : memref<!tpu.dma_semaphore, #tpu.memory_space<semaphore_mem>>)
    %dma_wait3A_28 = arith.constant 1 : i32
    %dma_wait3A_29 = arith.constant 0 : i32
    %dma_wait3A_30 = tpu.memref_slice %arg5[%dma_wait3A_28, %dma_wait3A_29] : memref<4x72xi32, #tpu.memory_space<vmem>> -> memref<1x72xi32, #tpu.memory_space<vmem>>
    %dma_wait3A_31 = tpu.memref_squeeze %dma_wait3A_30 : memref<1x72xi32, #tpu.memory_space<vmem>> -> memref<72xi32, #tpu.memory_space<vmem>>
    %dma_wait3A_32 = arith.constant 0 : i32
    %dma_wait3A_33 = arith.constant 0 : i32
    %dma_wait3A_34 = tpu.memref_slice %arg2[%dma_wait3A_32, %dma_wait3A_33] : memref<36864x768xf32, #tpu.memory_space<hbm>> -> memref<36864x768xf32, #tpu.memory_space<hbm>>
    tpu.wait_indirect_dma semaphore(%arg8 : memref<!tpu.dma_semaphore, #tpu.memory_space<semaphore_mem>>) src(%dma_wait3A_34 : memref<36864x768xf32, #tpu.memory_space<hbm>>) dst(%arg7 : memref<72x768xf32, #tpu.memory_space<vmem>>)
    %add3A_35 = arith.constant 72 : i32
    %add3A_36 = arith.addi %mul3A_2, %add3A_35 : i32
    %dma_start3A_37 = arith.constant 0 : i32
    %dma_start3A_38 = tpu.memref_slice %arg4[%add3A_36, %dma_start3A_37] : memref<9216x768xf32, #tpu.memory_space<hbm>> -> memref<72x768xf32, #tpu.memory_space<hbm>>
    %dma_start3A_39 = arith.constant 0 : i32
    %dma_start3A_40 = tpu.memref_slice %arg4[%add3A_36, %dma_start3A_39] : memref<9216x768xf32, #tpu.memory_space<hbm>> -> memref<72x768xf32, #tpu.memory_space<hbm>>
    tpu.enqueue_dma source(%arg7 : memref<72x768xf32, #tpu.memory_space<vmem>>) target(%dma_start3A_40 : memref<72x768xf32, #tpu.memory_space<hbm>>) target_semaphore(%arg9 : memref<!tpu.dma_semaphore, #tpu.memory_space<semaphore_mem>>)
    %dma_wait3A_41 = arith.constant 0 : i32
    %dma_wait3A_42 = tpu.memref_slice %arg4[%add3A_16, %dma_wait3A_41] : memref<9216x768xf32, #tpu.memory_space<hbm>> -> memref<72x768xf32, #tpu.memory_space<hbm>>
    %dma_wait3A_43 = arith.constant 0 : i32
    %dma_wait3A_44 = tpu.memref_slice %arg4[%add3A_16, %dma_wait3A_43] : memref<9216x768xf32, #tpu.memory_space<hbm>> -> memref<72x768xf32, #tpu.memory_space<hbm>>
    tpu.wait_dma2 semaphore(%arg9 : memref<!tpu.dma_semaphore, #tpu.memory_space<semaphore_mem>>) src(%arg6 : memref<72x768xf32, #tpu.memory_space<vmem>>) dst(%dma_wait3A_44 : memref<72x768xf32, #tpu.memory_space<hbm>>)
    %dma_start3A_45 = arith.constant 2 : i32
    %dma_start3A_46 = arith.constant 0 : i32
    %dma_start3A_47 = tpu.memref_slice %arg5[%dma_start3A_45, %dma_start3A_46] : memref<4x72xi32, #tpu.memory_space<vmem>> -> memref<1x72xi32, #tpu.memory_space<vmem>>
    %dma_start3A_48 = tpu.memref_squeeze %dma_start3A_47 : memref<1x72xi32, #tpu.memory_space<vmem>> -> memref<72xi32, #tpu.memory_space<vmem>>
    %dma_start3A_49 = arith.constant 0 : i32
    %dma_start3A_50 = arith.constant 0 : i32
    %dma_start3A_51 = tpu.memref_slice %arg2[%dma_start3A_49, %dma_start3A_50] : memref<36864x768xf32, #tpu.memory_space<hbm>> -> memref<36864x768xf32, #tpu.memory_space<hbm>>
    tpu.enqueue_indirect_dma source(%dma_start3A_51 : memref<36864x768xf32, #tpu.memory_space<hbm>>) target(%arg6 : memref<72x768xf32, #tpu.memory_space<vmem>>) offsets(%dma_start3A_48 : memref<72xi32, #tpu.memory_space<vmem>>) semaphore(%arg8 : memref<!tpu.dma_semaphore, #tpu.memory_space<semaphore_mem>>)
    %dma_wait3A_52 = arith.constant 2 : i32
    %dma_wait3A_53 = arith.constant 0 : i32
    %dma_wait3A_54 = tpu.memref_slice %arg5[%dma_wait3A_52, %dma_wait3A_53] : memref<4x72xi32, #tpu.memory_space<vmem>> -> memref<1x72xi32, #tpu.memory_space<vmem>>
    %dma_wait3A_55 = tpu.memref_squeeze %dma_wait3A_54 : memref<1x72xi32, #tpu.memory_space<vmem>> -> memref<72xi32, #tpu.memory_space<vmem>>
    %dma_wait3A_56 = arith.constant 0 : i32
    %dma_wait3A_57 = arith.constant 0 : i32
    %dma_wait3A_58 = tpu.memref_slice %arg2[%dma_wait3A_56, %dma_wait3A_57] : memref<36864x768xf32, #tpu.memory_space<hbm>> -> memref<36864x768xf32, #tpu.memory_space<hbm>>
    tpu.wait_indirect_dma semaphore(%arg8 : memref<!tpu.dma_semaphore, #tpu.memory_space<semaphore_mem>>) src(%dma_wait3A_58 : memref<36864x768xf32, #tpu.memory_space<hbm>>) dst(%arg6 : memref<72x768xf32, #tpu.memory_space<vmem>>)
    %add3A_59 = arith.constant 144 : i32
    %add3A_60 = arith.addi %mul3A_2, %add3A_59 : i32
    %dma_start3A_61 = arith.constant 0 : i32
    %dma_start3A_62 = tpu.memref_slice %arg4[%add3A_60, %dma_start3A_61] : memref<9216x768xf32, #tpu.memory_space<hbm>> -> memref<72x768xf32, #tpu.memory_space<hbm>>
    %dma_start3A_63 = arith.constant 0 : i32
    %dma_start3A_64 = tpu.memref_slice %arg4[%add3A_60, %dma_start3A_63] : memref<9216x768xf32, #tpu.memory_space<hbm>> -> memref<72x768xf32, #tpu.memory_space<hbm>>
    tpu.enqueue_dma source(%arg6 : memref<72x768xf32, #tpu.memory_space<vmem>>) target(%dma_start3A_64 : memref<72x768xf32, #tpu.memory_space<hbm>>) target_semaphore(%arg9 : memref<!tpu.dma_semaphore, #tpu.memory_space<semaphore_mem>>)
    %dma_wait3A_65 = arith.constant 0 : i32
    %dma_wait3A_66 = tpu.memref_slice %arg4[%add3A_36, %dma_wait3A_65] : memref<9216x768xf32, #tpu.memory_space<hbm>> -> memref<72x768xf32, #tpu.memory_space<hbm>>
    %dma_wait3A_67 = arith.constant 0 : i32
    %dma_wait3A_68 = tpu.memref_slice %arg4[%add3A_36, %dma_wait3A_67] : memref<9216x768xf32, #tpu.memory_space<hbm>> -> memref<72x768xf32, #tpu.memory_space<hbm>>
    tpu.wait_dma2 semaphore(%arg9 : memref<!tpu.dma_semaphore, #tpu.memory_space<semaphore_mem>>) src(%arg7 : memref<72x768xf32, #tpu.memory_space<vmem>>) dst(%dma_wait3A_68 : memref<72x768xf32, #tpu.memory_space<hbm>>)
    %dma_start3A_69 = arith.constant 3 : i32
    %dma_start3A_70 = arith.constant 0 : i32
    %dma_start3A_71 = tpu.memref_slice %arg5[%dma_start3A_69, %dma_start3A_70] : memref<4x72xi32, #tpu.memory_space<vmem>> -> memref<1x72xi32, #tpu.memory_space<vmem>>
    %dma_start3A_72 = tpu.memref_squeeze %dma_start3A_71 : memref<1x72xi32, #tpu.memory_space<vmem>> -> memref<72xi32, #tpu.memory_space<vmem>>
    %dma_start3A_73 = arith.constant 0 : i32
    %dma_start3A_74 = arith.constant 0 : i32
    %dma_start3A_75 = tpu.memref_slice %arg2[%dma_start3A_73, %dma_start3A_74] : memref<36864x768xf32, #tpu.memory_space<hbm>> -> memref<36864x768xf32, #tpu.memory_space<hbm>>
    tpu.enqueue_indirect_dma source(%dma_start3A_75 : memref<36864x768xf32, #tpu.memory_space<hbm>>) target(%arg7 : memref<72x768xf32, #tpu.memory_space<vmem>>) offsets(%dma_start3A_72 : memref<72xi32, #tpu.memory_space<vmem>>) semaphore(%arg8 : memref<!tpu.dma_semaphore, #tpu.memory_space<semaphore_mem>>)
    %dma_wait3A_76 = arith.constant 3 : i32
    %dma_wait3A_77 = arith.constant 0 : i32
    %dma_wait3A_78 = tpu.memref_slice %arg5[%dma_wait3A_76, %dma_wait3A_77] : memref<4x72xi32, #tpu.memory_space<vmem>> -> memref<1x72xi32, #tpu.memory_space<vmem>>
    %dma_wait3A_79 = tpu.memref_squeeze %dma_wait3A_78 : memref<1x72xi32, #tpu.memory_space<vmem>> -> memref<72xi32, #tpu.memory_space<vmem>>
    %dma_wait3A_80 = arith.constant 0 : i32
    %dma_wait3A_81 = arith.constant 0 : i32
    %dma_wait3A_82 = tpu.memref_slice %arg2[%dma_wait3A_80, %dma_wait3A_81] : memref<36864x768xf32, #tpu.memory_space<hbm>> -> memref<36864x768xf32, #tpu.memory_space<hbm>>
    tpu.wait_indirect_dma semaphore(%arg8 : memref<!tpu.dma_semaphore, #tpu.memory_space<semaphore_mem>>) src(%dma_wait3A_82 : memref<36864x768xf32, #tpu.memory_space<hbm>>) dst(%arg7 : memref<72x768xf32, #tpu.memory_space<vmem>>)
    %add3A_83 = arith.constant 216 : i32
    %add3A_84 = arith.addi %mul3A_2, %add3A_83 : i32
    %dma_start3A_85 = arith.constant 0 : i32
    %dma_start3A_86 = tpu.memref_slice %arg4[%add3A_84, %dma_start3A_85] : memref<9216x768xf32, #tpu.memory_space<hbm>> -> memref<72x768xf32, #tpu.memory_space<hbm>>
    %dma_start3A_87 = arith.constant 0 : i32
    %dma_start3A_88 = tpu.memref_slice %arg4[%add3A_84, %dma_start3A_87] : memref<9216x768xf32, #tpu.memory_space<hbm>> -> memref<72x768xf32, #tpu.memory_space<hbm>>
    tpu.enqueue_dma source(%arg7 : memref<72x768xf32, #tpu.memory_space<vmem>>) target(%dma_start3A_88 : memref<72x768xf32, #tpu.memory_space<hbm>>) target_semaphore(%arg9 : memref<!tpu.dma_semaphore, #tpu.memory_space<semaphore_mem>>)
    %dma_wait3A_89 = arith.constant 0 : i32
    %dma_wait3A_90 = tpu.memref_slice %arg4[%add3A_60, %dma_wait3A_89] : memref<9216x768xf32, #tpu.memory_space<hbm>> -> memref<72x768xf32, #tpu.memory_space<hbm>>
    %dma_wait3A_91 = arith.constant 0 : i32
    %dma_wait3A_92 = tpu.memref_slice %arg4[%add3A_60, %dma_wait3A_91] : memref<9216x768xf32, #tpu.memory_space<hbm>> -> memref<72x768xf32, #tpu.memory_space<hbm>>
    tpu.wait_dma2 semaphore(%arg9 : memref<!tpu.dma_semaphore, #tpu.memory_space<semaphore_mem>>) src(%arg6 : memref<72x768xf32, #tpu.memory_space<vmem>>) dst(%dma_wait3A_92 : memref<72x768xf32, #tpu.memory_space<hbm>>)
    %dma_wait3A_93 = arith.constant 0 : i32
    %dma_wait3A_94 = tpu.memref_slice %arg4[%add3A_84, %dma_wait3A_93] : memref<9216x768xf32, #tpu.memory_space<hbm>> -> memref<72x768xf32, #tpu.memory_space<hbm>>
    %dma_wait3A_95 = arith.constant 0 : i32
    %dma_wait3A_96 = tpu.memref_slice %arg4[%add3A_84, %dma_wait3A_95] : memref<9216x768xf32, #tpu.memory_space<hbm>> -> memref<72x768xf32, #tpu.memory_space<hbm>>
    tpu.wait_dma2 semaphore(%arg9 : memref<!tpu.dma_semaphore, #tpu.memory_space<semaphore_mem>>) src(%arg7 : memref<72x768xf32, #tpu.memory_space<vmem>>) dst(%dma_wait3A_96 : memref<72x768xf32, #tpu.memory_space<hbm>>)
    return
  }
}

</mosaic_0001>

<sc_bundles>
// kernel: kernel.5.cloned.1.call-start
scs
__scs_entry_jumppad:
0x0: {  	(pc) =	sbr.rel $0x88, $3  }
0x1: {  	(tag) =	ssettag $0x0;
	lr =	simm.s32 $0x1  }
0x2: {  	[smem:$0x3FA0] =	sst lr;
	_ =	strace $0xD0000000  }
0x3: {  	_ = 	snop  }
0x4: {  	_ = 	snop  }
0x5: {  	_ = 	snop  }
0x6: {  	_ = 	snop  }
0x7: {  	_ = 	snop  }
__scs_overlays_trampoline_lowered:
0x8: {  	[smem:$0x3FAF] =	sst s0  }
0x9: {  	[smem:$0x3FB0] =	sst s1  }
0xa: {  	[smem:$0x3FB1] =	sst s2  }
0xb: {  	[smem:$0x3FB2] =	sst s3  }
0xc: {  	[smem:$0x3FB3] =	sst s4  }
0xd: {  	[smem:$0x3FB4] =	sst s5  }
0xe: {  	[smem:$0x3FB5] =	sst s6  }
0xf: {  	[smem:$0x3FB6] =	sst s7  }
0x10: {  	[smem:$0x3FB7] =	sst s8  }
0x11: {  	[smem:$0x3FB8] =	sst s9;
	s0 =	simm.s32 @!p0 $0x0  }
0x12: {  	s1 =	sld [smem:$0x3F9E];
	s0 =	simm.s32 @p0 $0x1  }
0x13: {  	[smem:$0x3FB9] =	sst s0;
	s0 =	simm.s32 @!p1 $0x0  }
0x14: {  	s2 =	sld [smem:$0x3F9D];
	s0 =	simm.s32 @p1 $0x1  }
0x15: {  	[smem:$0x3FBA] =	sst s0;
	s0 =	simm.s32 @!p2 $0x0  }
0x16: {  	s3 =	sld [smem:$0x3FDB];
	s0 =	simm.s32 @p2 $0x1  }
0x17: {  	s4 =	simm.s32 $0x1BF5;
	[smem:$0x3FBC] =	sst s0  }
0x18: {  	s0 =	sld [smem:$0x3F9F];
	_ =	swait.ge [sflag:s4], $0x0  }
0x19: {  	s7 =	sld [smem:$0x3FA0]  }
0x1a: {  	s8 =	sadd.s32 $0xFFFFE003, lr  }
0x1b: {  	s9 =	sadd.s32 $0xFFFFFEF7, lr;
	s5 =	simm.s32 $0xFFFFFFFF;
	p2 =	slt.u32 s8, $0xFFFFF086  }
0x1c: {  	p1 =	slt.u32 s9, $0xF7A;
	s5 =	simm.s32 @!p2 $0x0  }
0x1d: {  	s5 =	simm.s32 @p1 $0x1;
	p0 =	seq.s32 s7, s2  }
0x1e: {  	s7 =	smul.u32 @!p0 $0xF7A, s2;
	p2 =	seq.s32 @!p0 s5, $0x0  }
0x1f: {  	s9 =	smul.u32 $0xF7A, s1;
	s8 =	simm.s32 @!p0 $0x1BF5;
	p2 =	por !p2, p0  }
0x20: {  	[sflag:s8] =	ssyncset.s32 @!p0 $0xFFFFF086;
	s6 =	sadd.s32 @!p0 s3, s7;
	s7 =	simm.s32 @!p0 $0x108  }
0x21: {  	s3 =	sadd.s32 s3, s9;
	s6 =	sadd.s32 @!p0 $0x88, s6;
	s7 =	simm.s32 @p2 $0x1082  }
0x22: {  	[simem:s7], [sflag:s8] =	dma.local @!p0 [hbm:s6], $0xF7A  }
0x23: {  	s9 =	sor.u32 $0xD0000000, s2;
	s6 =	simm.s32 $0x108;
	_ =	swait.ge @!p0 [sflag:s8], $0x0  }
0x24: {  	s3 =	sadd.s32 $0x88, s3;
	s6 =	simm.s32 @!p1 $0x1082;
	[sflag:s4] =	ssyncset.s32 $0xFFFFF086  }
0x25: {  	[simem:s6], [sflag:s4] =	dma.local [hbm:s3], $0xF7A  }
0x26: {  	[smem:$0x3FA0] =	sst s1;
	(tag) =	ssettag s2;
	_ =	strace s9  }
0x27: {  	s1 =	sld [smem:$0x3FB0]  }
0x28: {  	s2 =	sld [smem:$0x3FB1]  }
0x29: {  	s4 =	sld [smem:$0x3FB3]  }
0x2a: {  	p0 =	seq.s32 s5, $0x0;
	s5 =	sld [smem:$0x3FB4]  }
0x2b: {  	s6 =	sld [smem:$0x3FB5]  }
0x2c: {  	s7 =	sld [smem:$0x3FB6]  }
0x2d: {  	s3 =	simm.s32 $0x108;
	s8 =	sld [smem:$0x3FB7]  }
0x2e: {  	s3 =	simm.s32 @!p0 $0x1082;
	s9 =	sld [smem:$0x3FB8]  }
0x2f: {  	lr =	sadd.s32 s0, s3;
	s0 =	sld [smem:$0x3FAF]  }
0x30: {  	s3 =	sld [smem:$0x3FB2]  }
0x31: {  	[smem:$0x3FBB] =	sst s10  }
0x32: {  	s10 =	sld [smem:$0x3FB9];
	_ =	sdelay $0x3  }
0x33: {  	p0 =	seq.s32 s10, $0x1;
	s10 =	sld [smem:$0x3FBB];
	_ =	sdelay $0x3  }
0x34: {  	[smem:$0x3FBB] =	sst s10  }
0x35: {  	s10 =	sld [smem:$0x3FBA];
	_ =	sdelay $0x3  }
0x36: {  	p1 =	seq.s32 s10, $0x1;
	s10 =	sld [smem:$0x3FBB];
	_ =	sdelay $0x3  }
0x37: {  	[smem:$0x3FBB] =	sst s10  }
0x38: {  	s10 =	sld [smem:$0x3FBC]  }
0x39: {  	_ = 	snop;
	(pc) =	sbr.ind lr, $3  }
0x3a: {  	_ = 	snop  }
0x3b: {  	_ = 	snop  }
0x3c: {  	p2 =	seq.s32 s10, $0x1;
	s10 =	sld [smem:$0x3FBB]  }
0x3d: {  	_ =	shalt  }
0x3e: {  	_ =	shalt  }
0x3f: {  	_ =	shalt  }
0x40: {  	_ =	shalt  }
0x41: {  	_ =	shalt  }
0x42: {  	_ =	shalt  }
0x43: {  	_ =	shalt  }
0x44: {  	_ =	shalt  }
0x45: {  	_ =	shalt  }
0x46: {  	_ =	shalt  }
0x47: {  	_ =	shalt  }
0x48: {  	_ =	shalt  }
0x49: {  	_ =	shalt  }
0x4a: {  	_ =	shalt  }
0x4b: {  	_ =	shalt  }
0x4c: {  	_ =	shalt  }
0x4d: {  	_ =	shalt  }
0x4e: {  	_ =	shalt  }
0x4f: {  	_ =	shalt  }
0x50: {  	_ =	shalt  }
0x51: {  	_ =	shalt  }
0x52: {  	_ =	shalt  }
0x53: {  	_ =	shalt  }
0x54: {  	_ =	shalt  }
0x55: {  	_ =	shalt  }
0x56: {  	_ =	shalt  }
0x57: {  	_ =	shalt  }
0x58: {  	_ =	shalt  }
0x59: {  	_ =	shalt  }
0x5a: {  	_ =	shalt  }
0x5b: {  	_ =	shalt  }
0x5c: {  	_ =	shalt  }
0x5d: {  	_ =	shalt  }
0x5e: {  	_ =	shalt  }
0x5f: {  	_ =	shalt  }
0x60: {  	_ =	shalt  }
0x61: {  	_ =	shalt  }
0x62: {  	_ =	shalt  }
0x63: {  	_ =	shalt  }
0x64: {  	_ =	shalt  }
0x65: {  	_ =	shalt  }
0x66: {  	_ =	shalt  }
0x67: {  	_ =	shalt  }
0x68: {  	_ =	shalt  }
0x69: {  	_ =	shalt  }
0x6a: {  	_ =	shalt  }
0x6b: {  	_ =	shalt  }
0x6c: {  	_ =	shalt  }
0x6d: {  	_ =	shalt  }
0x6e: {  	_ =	shalt  }
0x6f: {  	_ =	shalt  }
0x70: {  	_ =	shalt  }
0x71: {  	_ =	shalt  }
0x72: {  	_ =	shalt  }
0x73: {  	_ =	shalt  }
0x74: {  	_ =	shalt  }
0x75: {  	_ =	shalt  }
0x76: {  	_ =	shalt  }
0x77: {  	_ =	shalt  }
0x78: {  	_ =	shalt  }
0x79: {  	_ =	shalt  }
0x7a: {  	_ =	shalt  }
0x7b: {  	_ =	shalt  }
0x7c: {  	_ =	shalt  }
0x7d: {  	_ =	shalt  }
0x7e: {  	_ =	shalt  }
0x7f: {  	_ =	shalt  }
0x80: {  	_ =	shalt  }
0x81: {  	_ =	shalt  }
0x82: {  	_ =	shalt  }
0x83: {  	_ =	shalt  }
0x84: {  	_ =	shalt  }
0x85: {  	_ =	shalt  }
0x86: {  	_ =	shalt  }
0x87: {  	_ =	shalt  }
.Lfunc_end0:
.L_simem_size_0:
called_computation_lowered:
.L_overlay_start_0:
0x88: {  	s2 =	sld [smem:$0x3FD9]  }
0x89: {  	s3 =	sld [smem:$0x3FFE];
	_ =	sdelay $0x1  }
0x8a: {  	s1 =	srdreg.scid  }
0x8b: {  	s0 =	sand.u32 $0x1, s1  }
0x8c: {  	s14 =	sshll.u32 s0, $0xA;
	s2 =	sadd.s32 s3, s2  }
0x8d: {  	s2 =	sadd.s32 s2, s14  }
0x8e: {  	[smem:$0x3FC7] =	sst s2  }
0x8f: {  	_ = 	snop  }
0x90: {  	s2 =	sld [smem:$0x3FD0];
	_ =	sdelay $0x2  }
0x91: {  	s4 =	simm.s32 $0xA;
	s5 =	simm.s32 $0x10;
	s15 =	sld [smem:$0x3FC9]  }
0x92: {  	[smem:s5], [sflag:s4] =	dma.local [hbm:s2], $0x1  }
0x93: {  	_ =	swait.eq [sflag:s4], $0x1  }
0x94: {  	[sflag:s4] =	ssyncset.done $0x0  }
0x95: {  	[sflag:s4] =	ssyncadd.s32 $0xFFFFFFFF  }
0x96: {  	s16 =	sld [smem:$0x10];
	(tm) =	ssettm $0x1  }
0x97: {  	s17 =	sld [smem:$0x3FFB];
	_ =	sdelay $0x3  }
0x98: {  	_ =	strace s17  }
0x99: {  	s4 =	sld [smem:$0x3FFC];
	_ =	sdelay $0x3  }
0x9a: {  	_ =	strace s4  }
0x9b: {  	s4 =	sld [smem:$0x3FFD];
	_ =	sdelay $0x3  }
0x9c: {  	_ =	strace s4  }
0x9d: {  	_ =	strace $0x8FFFFFFF  }
0x9e: {  	s18 =	sld [smem:$0x3FDB];
	_ =	sdelay $0x1  }
0x9f: {  	s19 =	simm.s32 $_scs_section_size  }
0xa0: {  	s6 =	simm.s32 $_size__tile_overlayer_lowered;
	s7 =	simm.s32 $_tile_overlayer_lowered  }
0xa1: {  	s22 =	simm.s32 $0x1BFF;
	s21 =	sshll.u32 s7, $0x1;
	s4 =	sadd.s32 s19, s18  }
0xa2: {  	s8 =	simm.s32 $0x0;
	s20 =	sshll.u32 s6, $0x1;
	s6 =	sadd.s32 s21, s4  }
0xa3: {  	[timem:s8], [sflag:s22] =	dma.local [hbm:s6], s20  }
0xa4: {  	_ =	swait.ge [sflag:s22], s20  }
0xa5: {  	s5 =	ssub.s32 $0x0, s20;
	[sflag:s22] =	ssyncset.done $0x0  }
0xa6: {  	[sflag:s22] =	ssyncadd.s32 s5;
	_ =	sdelay $0x1  }
0xa7: {  	s23 =	simm.s32 $0x1B8B  }
0xa8: {  	_ =	swait.ge [sflag:s23], $0x1  }
0xa9: {  	[sflag:s23] =	ssyncset.done $0x0  }
0xaa: {  	s25 =	simm.s32 $0x1B8E;
	s24 =	sld [smem:$0x3FFE];
	[sflag:s23] =	ssyncadd.s32 $0xFFFFFFFF  }
0xab: {  	s26 =	simm.s32 $execute0_lowered;
	[smem:$0x3FD2] =	sst s25  }
0xac: {  	s6 =	sshll.u32 s26, $0x1;
	_ =	strace $0x80000046;
	[dreg:$0x1] =	wrdreg $0xFFFFFFFF  }
0xad: {  	s28 =	simm.s32 $_size_execute0_lowered;
	s4 =	sadd.s32 s4, s6;
	[dreg:$0x0] =	wrdreg $0x0  }
0xae: {  	s6 =	sshll.u32 s28, $0x1;
	[dreg:$0x2] =	wrdreg s4  }
0xaf: {  	[dreg:$0x3] =	wrdreg s6  }
0xb0: {  	[dreg:$0x4] =	wrdreg $0xC0  }
0xb1: {  	_ =	task [dreg:s8], $0x5FFFF  }
0xb2: {  	[dreg:$0x1] =	wrdreg $0xFFFFFFFF  }
0xb3: {  	[dreg:$0x0] =	wrdreg $0x60  }
0xb4: {  	[dreg:$0x2] =	wrdreg s15  }
0xb5: {  	[dreg:$0x3] =	wrdreg s24  }
0xb6: {  	[dreg:$0x4] =	wrdreg s16  }
0xb7: {  	[dreg:$0x5] =	wrdreg $0x9  }
0xb8: {  	_ =	task.clear_ibuf [dreg:s8], $0x6FFFF;
	_ =	strace $0x90000046  }
0xb9: {  	s29 =	simm.s32 $0x9;
	_ =	strace $0x80000048  }
0xba: {  	_ =	swait.ge [sflag:s29], $0x1  }
0xbb: {  	[sflag:s29] =	ssyncadd.s32 $0xFFFFFFFF  }
0xbc: {  	_ =	strace $0x90000048  }
0xbd: {  	_ =	sfence  }
0xbe: {  	s30 =	sld [smem:$0x0];
	_ =	sdelay $0x2  }
0xbf: {  	s31 =	sshll.u32 s1, $0xD;
	s1 =	sshrl.u32 s1, $0x2  }
0xc0: {  	s3 =	sand.u32 $0x4000, s31;
	s1 =	sadd.s32 s1, s30  }
0xc1: {  	s0 =	sor.u32 s3, s0;
	s1 =	sshll.u32 s1, $0x11  }
0xc2: {  	s0 =	sor.u32 s1, s0  }
0xc3: {  	s0 =	sadd.s32 $0x8F2B, s0  }
0xc4: {  	[sflag:s0] =	ssyncadd.remote.s32 $0x1  }
0xc5: {  	_ =	sfence.sel $0xFFFF  }
0xc6: {  	[dreg:$0x0] =	wrdreg $0xFFFFFFFF;
	(pc) =	sbr.abs _section_cstart, $3  }
0xc7: {  	[dreg:$0x1] =	wrdreg $0xFFFFFFFF  }
0xc8: {  	_ =	task.clear_ibuf [dreg:s8], $0x2FFFF;
	_ =	strace $0x9FFFFFFF  }
0xc9: {  	(tm) =	ssettm $0x7FFFFFFF  }
tec
execute0_lowered:
.L_overlay_start_1:
0x0: {  	(tag) =	ssettag $0x1  }
0x1: {  	s1 =	rddreg [dreg:$0x0]  }
0x2: {  	s0 =	rddreg [dreg:$0x1];
	s2 =	srdreg.scid  }
0x3: {  	s3 =	stileid.u32;
	s4 =	rddreg [dreg:$0x2];
	s13 =	simm.s32 $0x1  }
0x4: {  	s18 =	simm.s32 $0x2;
	s14 =	simm.s32 $0x200;
	s20 =	simm.s32 $0xA00  }
0x5: {  	s21 =	simm.s32 $0x1200;
	s22 =	simm.s32 $0x1A00;
	s28 =	simm.s32 $0x4200  }
0x6: {  	s29 =	simm.s32 $0x4A00;
	s30 =	simm.s32 $0x5200;
	s31 =	simm.s32 $0x5A00  }
0x7: {  	s10 =	simm.s32 $0x7200;
	s11 =	simm.s32 $0x7A00;
	s12 =	simm.s32 $0x8200  }
0x8: {  	s15 =	simm.s32 $0x9200;
	s16 =	simm.s32 $0x9A00;
	s17 =	simm.s32 $0xA200  }
0x9: {  	s2 =	sand.u32 $0x1, s2;
	s5 =	sshll.u32 s3, $0x1;
	s3 =	simm.s32 $0x0  }
0xa: {  	s9 =	simm.s32 $0xB200;
	s5 =	sor.u32 s2, s5;
	[smem:$0x7FF] =	sst s3  }
0xb: {  	s2 =	ssub.s32 $0x2, s2;
	s6 =	smul.u32 $0x120, s5;
	s5 =	sshll.u32 s5, $0x6  }
0xc: {  	_ =	strace $0x80000047;
	s24 =	sshrl.u32 s2, $0x1;
	s0 =	sadd.s32 s0, s5  }
0xd: {  	s2 =	ssub.s32 s2, s24;
	s7 =	sshrl.u32 s6, $0x3;
	s8 =	sadd.s32 $0x48, s6  }
0xe: {  	s6 =	sadd.s32 $0xD8, s6;
	s7 =	smul.u32 $0x300, s7;
	s8 =	sshrl.u32 s8, $0x3  }
0xf: {  	s24 =	simm.s32 $0x2A00;
	s25 =	sshrl.u32 s6, $0x3;
	s23 =	smul.u32 $0x300, s8  }
0x10: {  	[dreg:$0x4] =	wrdreg s0;
	s0 =	smul.u32 $0x300, s25;
	s25 =	simm.s32 $0x3200  }
0x11: {  	s8 =	simm.s32 $0xAA00;
	s26 =	sadd.s32 s4, s7;
	s7 =	smax.u32 s2, $0x1  }
0x12: {  	s5 =	sadd.s32 s4, s23;
	[dreg:$0x8] =	wrdreg s26;
	s6 =	sadd.s32 $0x3600, s26  }
0x13: {  	v2 =	vlaneseq.u32;
	s0 =	sadd.s32 s4, s0;
	s23 =	simm.s32 $0x2200;
	[dreg:$0x5] =	wrdreg s5  }
0x14: {  	vm0 =	vmmov $0xffff;
	v1 =	vshrl.u32 v2, $0x3;
	s26 =	simm.s32 $0x3A00;
	s4 =	simm.s32 $0x8A00;
	[dreg:$0x6] =	wrdreg s6  }
0x15: {  	v0 =	vand.u32 $0x7, v2;
	v2 =	vor.u32 $0x8, v2;
	v1 =	vmul.u32 $0x8, v1;
	s5 =	sadd.s32 $0x100, s1;
	s6 =	sadd.s32 $0x200, s1;
	[dreg:$0x7] =	wrdreg s0  }
.LBB2_1:
0x16: {  	s19 =	rddreg [dreg:$0x4];
	s0 =	simm.s32 $0x3  }
0x17: {  	[tilespmem:s3], [sflag:$0x3] =	stream.linear.gather [hbm4b:s19+s3], $0x200, $0x38;
	[tilespmem:$0x1B200] =	vst v63  }
0x18: {  	_ =	swait.ge [sflag:s0], $0x200  }
0x19: {  	[sflag:s0] =	ssyncset.done $0x0  }
0x1a: {  	[sflag:s0] =	ssyncadd.s32 $0xFFFFFE00  }
0x1b: {  	v3 =	vld [tilespmem:$0x0];
	_ =	sdelay $0x4  }
0x1c: {  	v4 =	vshrl.u32 v3, $0x3  }
0x1d: {  	v4 =	vmul.u32 $0x30, v4  }
0x1e: {  	v3 =	vand.u32 $0x7, v3  }
0x1f: {  	v3 =	vor.u32 v3, v4  }
0x20: {  	v4 =	vperm.xlane v3, v0;
	_ =	sdelay $0x1  }
0x21: {  	v4 =	vadd.s32 v1, v4;
	_ =	sdelay $0x3  }
0x22: {  	v3 =	vperm.xlane v3, v2  }
0x23: {  	[tilespmem:s14], [sflag:$0x1] =	stream.indirect_vreg.gather [hbm4b:s1+s3], $0x80, v4, vm0, $0xb8;
	[tilespmem:$0x1B200] =	vst v63  }
0x24: {  	v3 =	vadd.s32 v1, v3  }
0x25: {  	[tilespmem:s20], [sflag:$0x1] =	stream.indirect_vreg.gather [hbm4b:s5+s3], $0x80, v4, vm0, $0xb8;
	[tilespmem:$0x1B200] =	vst v63  }
0x26: {  	_ = 	snop  }
0x27: {  	[tilespmem:s21], [sflag:$0x1] =	stream.indirect_vreg.gather [hbm4b:s6+s3], $0x80, v4, vm0, $0xb8;
	[tilespmem:$0x1B200] =	vst v63  }
0x28: {  	_ = 	snop  }
0x29: {  	[tilespmem:s22], [sflag:$0x1] =	stream.indirect_vreg.gather [hbm4b:s1+s3], $0x80, v3, vm0, $0xb8;
	[tilespmem:$0x1B200] =	vst v63  }
0x2a: {  	_ = 	snop  }
0x2b: {  	[tilespmem:s23], [sflag:$0x1] =	stream.indirect_vreg.gather [hbm4b:s5+s3], $0x80, v3, vm0, $0xb8;
	[tilespmem:$0x1B200] =	vst v63  }
0x2c: {  	_ = 	snop  }
0x2d: {  	[tilespmem:s24], [sflag:$0x1] =	stream.indirect_vreg.gather [hbm4b:s6+s3], $0x80, v3, vm0, $0xb8;
	[tilespmem:$0x1B200] =	vst v63  }
0x2e: {  	v3 =	vld [tilespmem:$0x10];
	_ =	sdelay $0x4  }
0x2f: {  	v45 =	vshrl.u32 v3, $0x3  }
0x30: {  	v4 =	vmul.u32 $0x30, v45  }
0x31: {  	v3 =	vand.u32 $0x7, v3  }
0x32: {  	v3 =	vor.u32 v3, v4  }
0x33: {  	v4 =	vperm.xlane v3, v0;
	_ =	sdelay $0x1  }
0x34: {  	v4 =	vadd.s32 v1, v4;
	_ =	sdelay $0x3  }
0x35: {  	v3 =	vperm.xlane v3, v2  }
0x36: {  	[tilespmem:s25], [sflag:$0x1] =	stream.indirect_vreg.gather [hbm4b:s1+s3], $0x80, v4, vm0, $0xb8;
	[tilespmem:$0x1B200] =	vst v63  }
0x37: {  	v3 =	vadd.s32 v1, v3  }
0x38: {  	[tilespmem:s26], [sflag:$0x1] =	stream.indirect_vreg.gather [hbm4b:s5+s3], $0x80, v4, vm0, $0xb8;
	[tilespmem:$0x1B200] =	vst v63  }
0x39: {  	_ = 	snop  }
0x3a: {  	[tilespmem:s28], [sflag:$0x1] =	stream.indirect_vreg.gather [hbm4b:s6+s3], $0x80, v4, vm0, $0xb8;
	[tilespmem:$0x1B200] =	vst v63  }
0x3b: {  	_ = 	snop  }
0x3c: {  	[tilespmem:s29], [sflag:$0x1] =	stream.indirect_vreg.gather [hbm4b:s1+s3], $0x80, v3, vm0, $0xb8;
	[tilespmem:$0x1B200] =	vst v63  }
0x3d: {  	_ = 	snop  }
0x3e: {  	[tilespmem:s30], [sflag:$0x1] =	stream.indirect_vreg.gather [hbm4b:s5+s3], $0x80, v3, vm0, $0xb8;
	[tilespmem:$0x1B200] =	vst v63  }
0x3f: {  	_ = 	snop  }
0x40: {  	[tilespmem:s31], [sflag:$0x1] =	stream.indirect_vreg.gather [hbm4b:s6+s3], $0x80, v3, vm0, $0xb8;
	[tilespmem:$0x1B200] =	vst v63  }
0x41: {  	v3 =	vld [tilespmem:$0x20];
	_ =	sdelay $0x4  }
0x42: {  	v46 =	vshrl.u32 v3, $0x3  }
0x43: {  	v4 =	vmul.u32 $0x30, v46  }
0x44: {  	v3 =	vand.u32 $0x7, v3  }
0x45: {  	v3 =	vor.u32 v3, v4  }
0x46: {  	v4 =	vperm.xlane v3, v0;
	_ =	sdelay $0x1  }
0x47: {  	v4 =	vadd.s32 v1, v4;
	_ =	sdelay $0x3  }
0x48: {  	s2 =	simm.s32 $0x6200;
	v3 =	vperm.xlane v3, v2  }
0x49: {  	[tilespmem:s2], [sflag:$0x1] =	stream.indirect_vreg.gather [hbm4b:s1+s3], $0x80, v4, vm0, $0xb8;
	[tilespmem:$0x1B200] =	vst v63  }
0x4a: {  	s19 =	simm.s32 $0x6A00;
	v3 =	vadd.s32 v1, v3  }
0x4b: {  	[tilespmem:s19], [sflag:$0x1] =	stream.indirect_vreg.gather [hbm4b:s5+s3], $0x80, v4, vm0, $0xb8;
	[tilespmem:$0x1B200] =	vst v63  }
0x4c: {  	_ = 	snop  }
0x4d: {  	[tilespmem:s10], [sflag:$0x1] =	stream.indirect_vreg.gather [hbm4b:s6+s3], $0x80, v4, vm0, $0xb8;
	[tilespmem:$0x1B200] =	vst v63  }
0x4e: {  	_ = 	snop  }
0x4f: {  	[tilespmem:s11], [sflag:$0x1] =	stream.indirect_vreg.gather [hbm4b:s1+s3], $0x80, v3, vm0, $0xb8;
	[tilespmem:$0x1B200] =	vst v63  }
0x50: {  	_ = 	snop  }
0x51: {  	[tilespmem:s12], [sflag:$0x1] =	stream.indirect_vreg.gather [hbm4b:s5+s3], $0x80, v3, vm0, $0xb8;
	[tilespmem:$0x1B200] =	vst v63  }
0x52: {  	_ = 	snop  }
0x53: {  	[tilespmem:s4], [sflag:$0x1] =	stream.indirect_vreg.gather [hbm4b:s6+s3], $0x80, v3, vm0, $0xb8;
	[tilespmem:$0x1B200] =	vst v63  }
0x54: {  	v3 =	vld [tilespmem:$0x30];
	_ =	sdelay $0x4  }
0x55: {  	v47 =	vshrl.u32 v3, $0x3  }
0x56: {  	v4 =	vmul.u32 $0x30, v47  }
0x57: {  	v3 =	vand.u32 $0x7, v3  }
0x58: {  	v3 =	vor.u32 v3, v4  }
0x59: {  	v4 =	vperm.xlane v3, v0;
	_ =	sdelay $0x1  }
0x5a: {  	v4 =	vadd.s32 v1, v4;
	_ =	sdelay $0x3  }
0x5b: {  	v3 =	vperm.xlane v3, v2  }
0x5c: {  	[tilespmem:s15], [sflag:$0x1] =	stream.indirect_vreg.gather [hbm4b:s1+s3], $0x80, v4, vm0, $0xb8;
	[tilespmem:$0x1B200] =	vst v63  }
0x5d: {  	v3 =	vadd.s32 v1, v3  }
0x5e: {  	[tilespmem:s16], [sflag:$0x1] =	stream.indirect_vreg.gather [hbm4b:s5+s3], $0x80, v4, vm0, $0xb8;
	[tilespmem:$0x1B200] =	vst v63  }
0x5f: {  	_ = 	snop  }
0x60: {  	[tilespmem:s17], [sflag:$0x1] =	stream.indirect_vreg.gather [hbm4b:s6+s3], $0x80, v4, vm0, $0xb8;
	[tilespmem:$0x1B200] =	vst v63  }
0x61: {  	_ = 	snop  }
0x62: {  	[tilespmem:s8], [sflag:$0x1] =	stream.indirect_vreg.gather [hbm4b:s1+s3], $0x80, v3, vm0, $0xb8;
	[tilespmem:$0x1B200] =	vst v63  }
0x63: {  	_ = 	snop  }
0x64: {  	[tilespmem:s9], [sflag:$0x1] =	stream.indirect_vreg.gather [hbm4b:s5+s3], $0x80, v3, vm0, $0xb8;
	[tilespmem:$0x1B200] =	vst v63  }
0x65: {  	s19 =	simm.s32 $0xBA00  }
0x66: {  	[tilespmem:s19], [sflag:$0x1] =	stream.indirect_vreg.gather [hbm4b:s6+s3], $0x80, v3, vm0, $0xb8;
	[tilespmem:$0x1B200] =	vst v63  }
0x67: {  	v3 =	vld.msk [tilespmem:$0x40], $0xff;
	_ =	sdelay $0x4  }
0x68: {  	v48 =	vshrl.u32 v3, $0x3  }
0x69: {  	v4 =	vmul.u32 $0x30, v48  }
0x6a: {  	v3 =	vand.u32 $0x7, v3  }
0x6b: {  	v3 =	vor.u32 v3, v4  }
0x6c: {  	v3 =	vperm.xlane v3, v0;
	_ =	sdelay $0x1  }
0x6d: {  	v3 =	vadd.s32 v1, v3;
	_ =	sdelay $0x3  }
0x6e: {  	s19 =	simm.s32 $0xC200  }
0x6f: {  	[tilespmem:s19], [sflag:$0x1] =	stream.indirect_vreg.gather [hbm4b:s1+s3], $0x80, v3, vm0, $0xb8;
	[tilespmem:$0x1B200] =	vst v63  }
0x70: {  	s19 =	simm.s32 $0xCA00  }
0x71: {  	[tilespmem:s19], [sflag:$0x1] =	stream.indirect_vreg.gather [hbm4b:s5+s3], $0x80, v3, vm0, $0xb8;
	[tilespmem:$0x1B200] =	vst v63  }
0x72: {  	s19 =	simm.s32 $0xD200  }
0x73: {  	[tilespmem:s19], [sflag:$0x1] =	stream.indirect_vreg.gather [hbm4b:s6+s3], $0x80, v3, vm0, $0xb8;
	[tilespmem:$0x1B200] =	vst v63  }
0x74: {  	_ =	swait.ge [sflag:s13], $0xD800  }
0x75: {  	[sflag:s13] =	ssyncset.done $0x0  }
0x76: {  	s0 =	rddreg [dreg:$0x8];
	[sflag:s13] =	ssyncadd.s32 $0xFFFF2800  }
0x77: {  	[hbm4b:s0+s3] =	stream.linear.scatter [tilespmem:s14], [sflag:$0x2], $0xD800, $0x38;
	[tilespmem:$0x1B200] =	vst v63  }
0x78: {  	v3 =	vld [tilespmem:$0x80];
	_ =	sdelay $0x4  }
0x79: {  	v49 =	vshrl.u32 v3, $0x3  }
0x7a: {  	v4 =	vmul.u32 $0x30, v49  }
0x7b: {  	v3 =	vand.u32 $0x7, v3  }
0x7c: {  	v3 =	vor.u32 v3, v4  }
0x7d: {  	v4 =	vperm.xlane v3, v0;
	_ =	sdelay $0x1  }
0x7e: {  	v4 =	vadd.s32 v1, v4;
	_ =	sdelay $0x3  }
0x7f: {  	s0 =	simm.s32 $0xDA00;
	v3 =	vperm.xlane v3, v2  }
0x80: {  	[tilespmem:s0], [sflag:$0x1] =	stream.indirect_vreg.gather [hbm4b:s1+s3], $0x80, v4, vm0, $0xb8;
	[tilespmem:$0x1B200] =	vst v63  }
0x81: {  	s19 =	simm.s32 $0xE200;
	v3 =	vadd.s32 v1, v3  }
0x82: {  	[tilespmem:s19], [sflag:$0x1] =	stream.indirect_vreg.gather [hbm4b:s5+s3], $0x80, v4, vm0, $0xb8;
	[tilespmem:$0x1B200] =	vst v63  }
0x83: {  	s19 =	simm.s32 $0xEA00  }
0x84: {  	[tilespmem:s19], [sflag:$0x1] =	stream.indirect_vreg.gather [hbm4b:s6+s3], $0x80, v4, vm0, $0xb8;
	[tilespmem:$0x1B200] =	vst v63  }
0x85: {  	s19 =	simm.s32 $0xF200  }
0x86: {  	[tilespmem:s19], [sflag:$0x1] =	stream.indirect_vreg.gather [hbm4b:s1+s3], $0x80, v3, vm0, $0xb8;
	[tilespmem:$0x1B200] =	vst v63  }
0x87: {  	s19 =	simm.s32 $0xFA00  }
0x88: {  	[tilespmem:s19], [sflag:$0x1] =	stream.indirect_vreg.gather [hbm4b:s5+s3], $0x80, v3, vm0, $0xb8;
	[tilespmem:$0x1B200] =	vst v63  }
0x89: {  	s19 =	simm.s32 $0x10200  }
0x8a: {  	[tilespmem:s19], [sflag:$0x1] =	stream.indirect_vreg.gather [hbm4b:s6+s3], $0x80, v3, vm0, $0xb8;
	[tilespmem:$0x1B200] =	vst v63  }
0x8b: {  	v3 =	vld [tilespmem:$0x90];
	_ =	sdelay $0x4  }
0x8c: {  	v50 =	vshrl.u32 v3, $0x3  }
0x8d: {  	v4 =	vmul.u32 $0x30, v50  }
0x8e: {  	v3 =	vand.u32 $0x7, v3  }
0x8f: {  	v3 =	vor.u32 v3, v4  }
0x90: {  	v4 =	vperm.xlane v3, v0;
	_ =	sdelay $0x1  }
0x91: {  	v4 =	vadd.s32 v1, v4;
	_ =	sdelay $0x3  }
0x92: {  	s19 =	simm.s32 $0x10A00;
	v3 =	vperm.xlane v3, v2  }
0x93: {  	[tilespmem:s19], [sflag:$0x1] =	stream.indirect_vreg.gather [hbm4b:s1+s3], $0x80, v4, vm0, $0xb8;
	[tilespmem:$0x1B200] =	vst v63  }
0x94: {  	v3 =	vadd.s32 v1, v3;
	s19 =	simm.s32 $0x11200  }
0x95: {  	[tilespmem:s19], [sflag:$0x1] =	stream.indirect_vreg.gather [hbm4b:s5+s3], $0x80, v4, vm0, $0xb8;
	[tilespmem:$0x1B200] =	vst v63  }
0x96: {  	s19 =	simm.s32 $0x11A00  }
0x97: {  	[tilespmem:s19], [sflag:$0x1] =	stream.indirect_vreg.gather [hbm4b:s6+s3], $0x80, v4, vm0, $0xb8;
	[tilespmem:$0x1B200] =	vst v63  }
0x98: {  	s19 =	simm.s32 $0x12200  }
0x99: {  	[tilespmem:s19], [sflag:$0x1] =	stream.indirect_vreg.gather [hbm4b:s1+s3], $0x80, v3, vm0, $0xb8;
	[tilespmem:$0x1B200] =	vst v63  }
0x9a: {  	s19 =	simm.s32 $0x12A00  }
0x9b: {  	[tilespmem:s19], [sflag:$0x1] =	stream.indirect_vreg.gather [hbm4b:s5+s3], $0x80, v3, vm0, $0xb8;
	[tilespmem:$0x1B200] =	vst v63  }
0x9c: {  	s19 =	simm.s32 $0x13200  }
0x9d: {  	[tilespmem:s19], [sflag:$0x1] =	stream.indirect_vreg.gather [hbm4b:s6+s3], $0x80, v3, vm0, $0xb8;
	[tilespmem:$0x1B200] =	vst v63  }
0x9e: {  	v3 =	vld [tilespmem:$0xA0];
	_ =	sdelay $0x4  }
0x9f: {  	v51 =	vshrl.u32 v3, $0x3  }
0xa0: {  	v4 =	vmul.u32 $0x30, v51  }
0xa1: {  	v3 =	vand.u32 $0x7, v3  }
0xa2: {  	v3 =	vor.u32 v3, v4  }
0xa3: {  	v4 =	vperm.xlane v3, v0;
	_ =	sdelay $0x1  }
0xa4: {  	v4 =	vadd.s32 v1, v4;
	_ =	sdelay $0x3  }
0xa5: {  	s19 =	simm.s32 $0x13A00;
	v3 =	vperm.xlane v3, v2  }
0xa6: {  	[tilespmem:s19], [sflag:$0x1] =	stream.indirect_vreg.gather [hbm4b:s1+s3], $0x80, v4, vm0, $0xb8;
	[tilespmem:$0x1B200] =	vst v63  }
0xa7: {  	v3 =	vadd.s32 v1, v3;
	s19 =	simm.s32 $0x14200  }
0xa8: {  	[tilespmem:s19], [sflag:$0x1] =	stream.indirect_vreg.gather [hbm4b:s5+s3], $0x80, v4, vm0, $0xb8;
	[tilespmem:$0x1B200] =	vst v63  }
0xa9: {  	s19 =	simm.s32 $0x14A00  }
0xaa: {  	[tilespmem:s19], [sflag:$0x1] =	stream.indirect_vreg.gather [hbm4b:s6+s3], $0x80, v4, vm0, $0xb8;
	[tilespmem:$0x1B200] =	vst v63  }
0xab: {  	s19 =	simm.s32 $0x15200  }
0xac: {  	[tilespmem:s19], [sflag:$0x1] =	stream.indirect_vreg.gather [hbm4b:s1+s3], $0x80, v3, vm0, $0xb8;
	[tilespmem:$0x1B200] =	vst v63  }
0xad: {  	s19 =	simm.s32 $0x15A00  }
0xae: {  	[tilespmem:s19], [sflag:$0x1] =	stream.indirect_vreg.gather [hbm4b:s5+s3], $0x80, v3, vm0, $0xb8;
	[tilespmem:$0x1B200] =	vst v63  }
0xaf: {  	s19 =	simm.s32 $0x16200  }
0xb0: {  	[tilespmem:s19], [sflag:$0x1] =	stream.indirect_vreg.gather [hbm4b:s6+s3], $0x80, v3, vm0, $0xb8;
	[tilespmem:$0x1B200] =	vst v63  }
0xb1: {  	v3 =	vld [tilespmem:$0xB0];
	_ =	sdelay $0x4  }
0xb2: {  	v52 =	vshrl.u32 v3, $0x3  }
0xb3: {  	v4 =	vmul.u32 $0x30, v52  }
0xb4: {  	v3 =	vand.u32 $0x7, v3  }
0xb5: {  	v3 =	vor.u32 v3, v4  }
0xb6: {  	v4 =	vperm.xlane v3, v0;
	_ =	sdelay $0x1  }
0xb7: {  	v4 =	vadd.s32 v1, v4;
	_ =	sdelay $0x3  }
0xb8: {  	s19 =	simm.s32 $0x16A00;
	v3 =	vperm.xlane v3, v2  }
0xb9: {  	[tilespmem:s19], [sflag:$0x1] =	stream.indirect_vreg.gather [hbm4b:s1+s3], $0x80, v4, vm0, $0xb8;
	[tilespmem:$0x1B200] =	vst v63  }
0xba: {  	v3 =	vadd.s32 v1, v3;
	s19 =	simm.s32 $0x17200  }
0xbb: {  	[tilespmem:s19], [sflag:$0x1] =	stream.indirect_vreg.gather [hbm4b:s5+s3], $0x80, v4, vm0, $0xb8;
	[tilespmem:$0x1B200] =	vst v63  }
0xbc: {  	s19 =	simm.s32 $0x17A00  }
0xbd: {  	[tilespmem:s19], [sflag:$0x1] =	stream.indirect_vreg.gather [hbm4b:s6+s3], $0x80, v4, vm0, $0xb8;
	[tilespmem:$0x1B200] =	vst v63  }
0xbe: {  	s19 =	simm.s32 $0x18200  }
0xbf: {  	[tilespmem:s19], [sflag:$0x1] =	stream.indirect_vreg.gather [hbm4b:s1+s3], $0x80, v3, vm0, $0xb8;
	[tilespmem:$0x1B200] =	vst v63  }
0xc0: {  	s19 =	simm.s32 $0x18A00  }
0xc1: {  	[tilespmem:s19], [sflag:$0x1] =	stream.indirect_vreg.gather [hbm4b:s5+s3], $0x80, v3, vm0, $0xb8;
	[tilespmem:$0x1B200] =	vst v63  }
0xc2: {  	s19 =	simm.s32 $0x19200  }
0xc3: {  	[tilespmem:s19], [sflag:$0x1] =	stream.indirect_vreg.gather [hbm4b:s6+s3], $0x80, v3, vm0, $0xb8;
	[tilespmem:$0x1B200] =	vst v63  }
0xc4: {  	v3 =	vld.msk [tilespmem:$0xC0], $0xff;
	_ =	sdelay $0x4  }
0xc5: {  	v53 =	vshrl.u32 v3, $0x3  }
0xc6: {  	v4 =	vmul.u32 $0x30, v53  }
0xc7: {  	v3 =	vand.u32 $0x7, v3  }
0xc8: {  	v3 =	vor.u32 v3, v4  }
0xc9: {  	v3 =	vperm.xlane v3, v0;
	_ =	sdelay $0x1  }
0xca: {  	v3 =	vadd.s32 v1, v3;
	_ =	sdelay $0x3  }
0xcb: {  	s19 =	simm.s32 $0x19A00  }
0xcc: {  	[tilespmem:s19], [sflag:$0x1] =	stream.indirect_vreg.gather [hbm4b:s1+s3], $0x80, v3, vm0, $0xb8;
	[tilespmem:$0x1B200] =	vst v63  }
0xcd: {  	s19 =	simm.s32 $0x1A200  }
0xce: {  	[tilespmem:s19], [sflag:$0x1] =	stream.indirect_vreg.gather [hbm4b:s5+s3], $0x80, v3, vm0, $0xb8;
	[tilespmem:$0x1B200] =	vst v63  }
0xcf: {  	s19 =	simm.s32 $0x1AA00  }
0xd0: {  	[tilespmem:s19], [sflag:$0x1] =	stream.indirect_vreg.gather [hbm4b:s6+s3], $0x80, v3, vm0, $0xb8;
	[tilespmem:$0x1B200] =	vst v63  }
0xd1: {  	_ =	swait.ge [sflag:s13], $0xD800  }
0xd2: {  	[sflag:s13] =	ssyncset.done $0x0  }
0xd3: {  	s19 =	rddreg [dreg:$0x5];
	[sflag:s13] =	ssyncadd.s32 $0xFFFF2800  }
0xd4: {  	[hbm4b:s19+s3] =	stream.linear.scatter [tilespmem:s0], [sflag:$0x2], $0xD800, $0x38;
	[tilespmem:$0x1B200] =	vst v63  }
0xd5: {  	_ =	swait.ge [sflag:s18], $0xD800  }
0xd6: {  	[sflag:s18] =	ssyncset.done $0x0  }
0xd7: {  	[sflag:s18] =	ssyncadd.s32 $0xFFFF2800  }
0xd8: {  	v3 =	vld [tilespmem:$0x100];
	_ =	sdelay $0x4  }
0xd9: {  	v54 =	vshrl.u32 v3, $0x3  }
0xda: {  	v4 =	vmul.u32 $0x30, v54  }
0xdb: {  	v3 =	vand.u32 $0x7, v3  }
0xdc: {  	v3 =	vor.u32 v3, v4  }
0xdd: {  	v4 =	vperm.xlane v3, v0;
	_ =	sdelay $0x1  }
0xde: {  	v4 =	vadd.s32 v1, v4;
	_ =	sdelay $0x3  }
0xdf: {  	v3 =	vperm.xlane v3, v2  }
0xe0: {  	[tilespmem:s14], [sflag:$0x1] =	stream.indirect_vreg.gather [hbm4b:s1+s3], $0x80, v4, vm0, $0xb8;
	[tilespmem:$0x1B200] =	vst v63  }
0xe1: {  	v3 =	vadd.s32 v1, v3  }
0xe2: {  	[tilespmem:s20], [sflag:$0x1] =	stream.indirect_vreg.gather [hbm4b:s5+s3], $0x80, v4, vm0, $0xb8;
	[tilespmem:$0x1B200] =	vst v63  }
0xe3: {  	_ = 	snop  }
0xe4: {  	[tilespmem:s21], [sflag:$0x1] =	stream.indirect_vreg.gather [hbm4b:s6+s3], $0x80, v4, vm0, $0xb8;
	[tilespmem:$0x1B200] =	vst v63  }
0xe5: {  	_ = 	snop  }
0xe6: {  	[tilespmem:s22], [sflag:$0x1] =	stream.indirect_vreg.gather [hbm4b:s1+s3], $0x80, v3, vm0, $0xb8;
	[tilespmem:$0x1B200] =	vst v63  }
0xe7: {  	_ = 	snop  }
0xe8: {  	[tilespmem:s23], [sflag:$0x1] =	stream.indirect_vreg.gather [hbm4b:s5+s3], $0x80, v3, vm0, $0xb8;
	[tilespmem:$0x1B200] =	vst v63  }
0xe9: {  	_ = 	snop  }
0xea: {  	[tilespmem:s24], [sflag:$0x1] =	stream.indirect_vreg.gather [hbm4b:s6+s3], $0x80, v3, vm0, $0xb8;
	[tilespmem:$0x1B200] =	vst v63  }
0xeb: {  	v3 =	vld [tilespmem:$0x110];
	_ =	sdelay $0x4  }
0xec: {  	v55 =	vshrl.u32 v3, $0x3  }
0xed: {  	v4 =	vmul.u32 $0x30, v55  }
0xee: {  	v3 =	vand.u32 $0x7, v3  }
0xef: {  	v3 =	vor.u32 v3, v4  }
0xf0: {  	v4 =	vperm.xlane v3, v0;
	_ =	sdelay $0x1  }
0xf1: {  	v4 =	vadd.s32 v1, v4;
	_ =	sdelay $0x3  }
0xf2: {  	v3 =	vperm.xlane v3, v2  }
0xf3: {  	[tilespmem:s25], [sflag:$0x1] =	stream.indirect_vreg.gather [hbm4b:s1+s3], $0x80, v4, vm0, $0xb8;
	[tilespmem:$0x1B200] =	vst v63  }
0xf4: {  	v3 =	vadd.s32 v1, v3  }
0xf5: {  	[tilespmem:s26], [sflag:$0x1] =	stream.indirect_vreg.gather [hbm4b:s5+s3], $0x80, v4, vm0, $0xb8;
	[tilespmem:$0x1B200] =	vst v63  }
0xf6: {  	_ = 	snop  }
0xf7: {  	[tilespmem:s28], [sflag:$0x1] =	stream.indirect_vreg.gather [hbm4b:s6+s3], $0x80, v4, vm0, $0xb8;
	[tilespmem:$0x1B200] =	vst v63  }
0xf8: {  	_ = 	snop  }
0xf9: {  	[tilespmem:s29], [sflag:$0x1] =	stream.indirect_vreg.gather [hbm4b:s1+s3], $0x80, v3, vm0, $0xb8;
	[tilespmem:$0x1B200] =	vst v63  }
0xfa: {  	_ = 	snop  }
0xfb: {  	[tilespmem:s30], [sflag:$0x1] =	stream.indirect_vreg.gather [hbm4b:s5+s3], $0x80, v3, vm0, $0xb8;
	[tilespmem:$0x1B200] =	vst v63  }
0xfc: {  	_ = 	snop  }
0xfd: {  	[tilespmem:s31], [sflag:$0x1] =	stream.indirect_vreg.gather [hbm4b:s6+s3], $0x80, v3, vm0, $0xb8;
	[tilespmem:$0x1B200] =	vst v63  }
0xfe: {  	v3 =	vld [tilespmem:$0x120];
	_ =	sdelay $0x4  }
0xff: {  	v56 =	vshrl.u32 v3, $0x3  }
0x100: {  	v4 =	vmul.u32 $0x30, v56  }
0x101: {  	v3 =	vand.u32 $0x7, v3  }
0x102: {  	v3 =	vor.u32 v3, v4  }
0x103: {  	v4 =	vperm.xlane v3, v0;
	_ =	sdelay $0x1  }
0x104: {  	v4 =	vadd.s32 v1, v4;
	_ =	sdelay $0x3  }
0x105: {  	v3 =	vperm.xlane v3, v2  }
0x106: {  	[tilespmem:s2], [sflag:$0x1] =	stream.indirect_vreg.gather [hbm4b:s1+s3], $0x80, v4, vm0, $0xb8;
	[tilespmem:$0x1B200] =	vst v63  }
0x107: {  	s19 =	simm.s32 $0x6A00;
	v3 =	vadd.s32 v1, v3  }
0x108: {  	[tilespmem:s19], [sflag:$0x1] =	stream.indirect_vreg.gather [hbm4b:s5+s3], $0x80, v4, vm0, $0xb8;
	[tilespmem:$0x1B200] =	vst v63  }
0x109: {  	_ = 	snop  }
0x10a: {  	[tilespmem:s10], [sflag:$0x1] =	stream.indirect_vreg.gather [hbm4b:s6+s3], $0x80, v4, vm0, $0xb8;
	[tilespmem:$0x1B200] =	vst v63  }
0x10b: {  	_ = 	snop  }
0x10c: {  	[tilespmem:s11], [sflag:$0x1] =	stream.indirect_vreg.gather [hbm4b:s1+s3], $0x80, v3, vm0, $0xb8;
	[tilespmem:$0x1B200] =	vst v63  }
0x10d: {  	_ = 	snop  }
0x10e: {  	[tilespmem:s12], [sflag:$0x1] =	stream.indirect_vreg.gather [hbm4b:s5+s3], $0x80, v3, vm0, $0xb8;
	[tilespmem:$0x1B200] =	vst v63  }
0x10f: {  	_ = 	snop  }
0x110: {  	[tilespmem:s4], [sflag:$0x1] =	stream.indirect_vreg.gather [hbm4b:s6+s3], $0x80, v3, vm0, $0xb8;
	[tilespmem:$0x1B200] =	vst v63  }
0x111: {  	v3 =	vld [tilespmem:$0x130];
	_ =	sdelay $0x4  }
0x112: {  	v57 =	vshrl.u32 v3, $0x3  }
0x113: {  	v4 =	vmul.u32 $0x30, v57  }
0x114: {  	v3 =	vand.u32 $0x7, v3  }
0x115: {  	v3 =	vor.u32 v3, v4  }
0x116: {  	v4 =	vperm.xlane v3, v0;
	_ =	sdelay $0x1  }
0x117: {  	v4 =	vadd.s32 v1, v4;
	_ =	sdelay $0x3  }
0x118: {  	v3 =	vperm.xlane v3, v2  }
0x119: {  	[tilespmem:s15], [sflag:$0x1] =	stream.indirect_vreg.gather [hbm4b:s1+s3], $0x80, v4, vm0, $0xb8;
	[tilespmem:$0x1B200] =	vst v63  }
0x11a: {  	v3 =	vadd.s32 v1, v3  }
0x11b: {  	[tilespmem:s16], [sflag:$0x1] =	stream.indirect_vreg.gather [hbm4b:s5+s3], $0x80, v4, vm0, $0xb8;
	[tilespmem:$0x1B200] =	vst v63  }
0x11c: {  	_ = 	snop  }
0x11d: {  	[tilespmem:s17], [sflag:$0x1] =	stream.indirect_vreg.gather [hbm4b:s6+s3], $0x80, v4, vm0, $0xb8;
	[tilespmem:$0x1B200] =	vst v63  }
0x11e: {  	_ = 	snop  }
0x11f: {  	[tilespmem:s8], [sflag:$0x1] =	stream.indirect_vreg.gather [hbm4b:s1+s3], $0x80, v3, vm0, $0xb8;
	[tilespmem:$0x1B200] =	vst v63  }
0x120: {  	_ = 	snop  }
0x121: {  	[tilespmem:s9], [sflag:$0x1] =	stream.indirect_vreg.gather [hbm4b:s5+s3], $0x80, v3, vm0, $0xb8;
	[tilespmem:$0x1B200] =	vst v63  }
0x122: {  	s19 =	simm.s32 $0xBA00  }
0x123: {  	[tilespmem:s19], [sflag:$0x1] =	stream.indirect_vreg.gather [hbm4b:s6+s3], $0x80, v3, vm0, $0xb8;
	[tilespmem:$0x1B200] =	vst v63  }
0x124: {  	v3 =	vld.msk [tilespmem:$0x140], $0xff;
	_ =	sdelay $0x4  }
0x125: {  	v58 =	vshrl.u32 v3, $0x3  }
0x126: {  	v4 =	vmul.u32 $0x30, v58  }
0x127: {  	v3 =	vand.u32 $0x7, v3  }
0x128: {  	v3 =	vor.u32 v3, v4  }
0x129: {  	v3 =	vperm.xlane v3, v0;
	_ =	sdelay $0x1  }
0x12a: {  	v3 =	vadd.s32 v1, v3;
	_ =	sdelay $0x3  }
0x12b: {  	s19 =	simm.s32 $0xC200  }
0x12c: {  	[tilespmem:s19], [sflag:$0x1] =	stream.indirect_vreg.gather [hbm4b:s1+s3], $0x80, v3, vm0, $0xb8;
	[tilespmem:$0x1B200] =	vst v63  }
0x12d: {  	s19 =	simm.s32 $0xCA00  }
0x12e: {  	[tilespmem:s19], [sflag:$0x1] =	stream.indirect_vreg.gather [hbm4b:s5+s3], $0x80, v3, vm0, $0xb8;
	[tilespmem:$0x1B200] =	vst v63  }
0x12f: {  	s19 =	simm.s32 $0xD200  }
0x130: {  	[tilespmem:s19], [sflag:$0x1] =	stream.indirect_vreg.gather [hbm4b:s6+s3], $0x80, v3, vm0, $0xb8;
	[tilespmem:$0x1B200] =	vst v63  }
0x131: {  	_ =	swait.ge [sflag:s13], $0xD800  }
0x132: {  	[sflag:s13] =	ssyncset.done $0x0  }
0x133: {  	s2 =	rddreg [dreg:$0x6];
	[sflag:s13] =	ssyncadd.s32 $0xFFFF2800  }
0x134: {  	[hbm4b:s2+s3] =	stream.linear.scatter [tilespmem:s14], [sflag:$0x2], $0xD800, $0x38;
	[tilespmem:$0x1B200] =	vst v63  }
0x135: {  	_ =	swait.ge [sflag:s18], $0xD800  }
0x136: {  	[sflag:s18] =	ssyncset.done $0x0  }
0x137: {  	[sflag:s18] =	ssyncadd.s32 $0xFFFF2800  }
0x138: {  	v3 =	vld [tilespmem:$0x180];
	_ =	sdelay $0x4  }
0x139: {  	v59 =	vshrl.u32 v3, $0x3  }
0x13a: {  	v4 =	vmul.u32 $0x30, v59  }
0x13b: {  	v3 =	vand.u32 $0x7, v3  }
0x13c: {  	v3 =	vor.u32 v3, v4  }
0x13d: {  	v4 =	vperm.xlane v3, v0;
	_ =	sdelay $0x1  }
0x13e: {  	v4 =	vadd.s32 v1, v4;
	_ =	sdelay $0x3  }
0x13f: {  	v3 =	vperm.xlane v3, v2  }
0x140: {  	[tilespmem:s0], [sflag:$0x1] =	stream.indirect_vreg.gather [hbm4b:s1+s3], $0x80, v4, vm0, $0xb8;
	[tilespmem:$0x1B200] =	vst v63  }
0x141: {  	s19 =	simm.s32 $0xE200;
	v3 =	vadd.s32 v1, v3  }
0x142: {  	[tilespmem:s19], [sflag:$0x1] =	stream.indirect_vreg.gather [hbm4b:s5+s3], $0x80, v4, vm0, $0xb8;
	[tilespmem:$0x1B200] =	vst v63  }
0x143: {  	s19 =	simm.s32 $0xEA00  }
0x144: {  	[tilespmem:s19], [sflag:$0x1] =	stream.indirect_vreg.gather [hbm4b:s6+s3], $0x80, v4, vm0, $0xb8;
	[tilespmem:$0x1B200] =	vst v63  }
0x145: {  	s19 =	simm.s32 $0xF200  }
0x146: {  	[tilespmem:s19], [sflag:$0x1] =	stream.indirect_vreg.gather [hbm4b:s1+s3], $0x80, v3, vm0, $0xb8;
	[tilespmem:$0x1B200] =	vst v63  }
0x147: {  	s19 =	simm.s32 $0xFA00  }
0x148: {  	[tilespmem:s19], [sflag:$0x1] =	stream.indirect_vreg.gather [hbm4b:s5+s3], $0x80, v3, vm0, $0xb8;
	[tilespmem:$0x1B200] =	vst v63  }
0x149: {  	s19 =	simm.s32 $0x10200  }
0x14a: {  	[tilespmem:s19], [sflag:$0x1] =	stream.indirect_vreg.gather [hbm4b:s6+s3], $0x80, v3, vm0, $0xb8;
	[tilespmem:$0x1B200] =	vst v63  }
0x14b: {  	v3 =	vld [tilespmem:$0x190];
	_ =	sdelay $0x4  }
0x14c: {  	v60 =	vshrl.u32 v3, $0x3  }
0x14d: {  	v4 =	vmul.u32 $0x30, v60  }
0x14e: {  	v3 =	vand.u32 $0x7, v3  }
0x14f: {  	v3 =	vor.u32 v3, v4  }
0x150: {  	v4 =	vperm.xlane v3, v0;
	_ =	sdelay $0x1  }
0x151: {  	v4 =	vadd.s32 v1, v4;
	_ =	sdelay $0x3  }
0x152: {  	s19 =	simm.s32 $0x10A00;
	v3 =	vperm.xlane v3, v2  }
0x153: {  	[tilespmem:s19], [sflag:$0x1] =	stream.indirect_vreg.gather [hbm4b:s1+s3], $0x80, v4, vm0, $0xb8;
	[tilespmem:$0x1B200] =	vst v63  }
0x154: {  	v3 =	vadd.s32 v1, v3;
	s19 =	simm.s32 $0x11200  }
0x155: {  	[tilespmem:s19], [sflag:$0x1] =	stream.indirect_vreg.gather [hbm4b:s5+s3], $0x80, v4, vm0, $0xb8;
	[tilespmem:$0x1B200] =	vst v63  }
0x156: {  	s19 =	simm.s32 $0x11A00  }
0x157: {  	[tilespmem:s19], [sflag:$0x1] =	stream.indirect_vreg.gather [hbm4b:s6+s3], $0x80, v4, vm0, $0xb8;
	[tilespmem:$0x1B200] =	vst v63  }
0x158: {  	s19 =	simm.s32 $0x12200  }
0x159: {  	[tilespmem:s19], [sflag:$0x1] =	stream.indirect_vreg.gather [hbm4b:s1+s3], $0x80, v3, vm0, $0xb8;
	[tilespmem:$0x1B200] =	vst v63  }
0x15a: {  	s19 =	simm.s32 $0x12A00  }
0x15b: {  	[tilespmem:s19], [sflag:$0x1] =	stream.indirect_vreg.gather [hbm4b:s5+s3], $0x80, v3, vm0, $0xb8;
	[tilespmem:$0x1B200] =	vst v63  }
0x15c: {  	s19 =	simm.s32 $0x13200  }
0x15d: {  	[tilespmem:s19], [sflag:$0x1] =	stream.indirect_vreg.gather [hbm4b:s6+s3], $0x80, v3, vm0, $0xb8;
	[tilespmem:$0x1B200] =	vst v63  }
0x15e: {  	v3 =	vld [tilespmem:$0x1A0];
	_ =	sdelay $0x4  }
0x15f: {  	v61 =	vshrl.u32 v3, $0x3  }
0x160: {  	v4 =	vmul.u32 $0x30, v61  }
0x161: {  	v3 =	vand.u32 $0x7, v3  }
0x162: {  	v3 =	vor.u32 v3, v4  }
0x163: {  	v4 =	vperm.xlane v3, v0;
	_ =	sdelay $0x1  }
0x164: {  	v4 =	vadd.s32 v1, v4;
	_ =	sdelay $0x3  }
0x165: {  	s19 =	simm.s32 $0x13A00;
	v3 =	vperm.xlane v3, v2  }
0x166: {  	[tilespmem:s19], [sflag:$0x1] =	stream.indirect_vreg.gather [hbm4b:s1+s3], $0x80, v4, vm0, $0xb8;
	[tilespmem:$0x1B200] =	vst v63  }
0x167: {  	v3 =	vadd.s32 v1, v3;
	s19 =	simm.s32 $0x14200  }
0x168: {  	[tilespmem:s19], [sflag:$0x1] =	stream.indirect_vreg.gather [hbm4b:s5+s3], $0x80, v4, vm0, $0xb8;
	[tilespmem:$0x1B200] =	vst v63  }
0x169: {  	s19 =	simm.s32 $0x14A00  }
0x16a: {  	[tilespmem:s19], [sflag:$0x1] =	stream.indirect_vreg.gather [hbm4b:s6+s3], $0x80, v4, vm0, $0xb8;
	[tilespmem:$0x1B200] =	vst v63  }
0x16b: {  	s19 =	simm.s32 $0x15200  }
0x16c: {  	[tilespmem:s19], [sflag:$0x1] =	stream.indirect_vreg.gather [hbm4b:s1+s3], $0x80, v3, vm0, $0xb8;
	[tilespmem:$0x1B200] =	vst v63  }
0x16d: {  	s19 =	simm.s32 $0x15A00  }
0x16e: {  	[tilespmem:s19], [sflag:$0x1] =	stream.indirect_vreg.gather [hbm4b:s5+s3], $0x80, v3, vm0, $0xb8;
	[tilespmem:$0x1B200] =	vst v63  }
0x16f: {  	s19 =	simm.s32 $0x16200  }
0x170: {  	[tilespmem:s19], [sflag:$0x1] =	stream.indirect_vreg.gather [hbm4b:s6+s3], $0x80, v3, vm0, $0xb8;
	[tilespmem:$0x1B200] =	vst v63  }
0x171: {  	v3 =	vld [tilespmem:$0x1B0];
	_ =	sdelay $0x4  }
0x172: {  	v62 =	vshrl.u32 v3, $0x3  }
0x173: {  	v4 =	vmul.u32 $0x30, v62  }
0x174: {  	v3 =	vand.u32 $0x7, v3  }
0x175: {  	v3 =	vor.u32 v3, v4  }
0x176: {  	v4 =	vperm.xlane v3, v0;
	_ =	sdelay $0x1  }
0x177: {  	v4 =	vadd.s32 v1, v4;
	_ =	sdelay $0x3  }
0x178: {  	s19 =	simm.s32 $0x16A00;
	v3 =	vperm.xlane v3, v2  }
0x179: {  	[tilespmem:s19], [sflag:$0x1] =	stream.indirect_vreg.gather [hbm4b:s1+s3], $0x80, v4, vm0, $0xb8;
	[tilespmem:$0x1B200] =	vst v63  }
0x17a: {  	v3 =	vadd.s32 v1, v3;
	s19 =	simm.s32 $0x17200  }
0x17b: {  	[tilespmem:s19], [sflag:$0x1] =	stream.indirect_vreg.gather [hbm4b:s5+s3], $0x80, v4, vm0, $0xb8;
	[tilespmem:$0x1B200] =	vst v63  }
0x17c: {  	s19 =	simm.s32 $0x17A00  }
0x17d: {  	[tilespmem:s19], [sflag:$0x1] =	stream.indirect_vreg.gather [hbm4b:s6+s3], $0x80, v4, vm0, $0xb8;
	[tilespmem:$0x1B200] =	vst v63  }
0x17e: {  	s19 =	simm.s32 $0x18200  }
0x17f: {  	[tilespmem:s19], [sflag:$0x1] =	stream.indirect_vreg.gather [hbm4b:s1+s3], $0x80, v3, vm0, $0xb8;
	[tilespmem:$0x1B200] =	vst v63  }
0x180: {  	s19 =	simm.s32 $0x18A00  }
0x181: {  	[tilespmem:s19], [sflag:$0x1] =	stream.indirect_vreg.gather [hbm4b:s5+s3], $0x80, v3, vm0, $0xb8;
	[tilespmem:$0x1B200] =	vst v63  }
0x182: {  	s19 =	simm.s32 $0x19200  }
0x183: {  	[tilespmem:s19], [sflag:$0x1] =	stream.indirect_vreg.gather [hbm4b:s6+s3], $0x80, v3, vm0, $0xb8;
	[tilespmem:$0x1B200] =	vst v63  }
0x184: {  	v3 =	vld.msk [tilespmem:$0x1C0], $0xff;
	_ =	sdelay $0x4  }
0x185: {  	v63 =	vshrl.u32 v3, $0x3  }
0x186: {  	v4 =	vmul.u32 $0x30, v63  }
0x187: {  	v3 =	vand.u32 $0x7, v3  }
0x188: {  	v3 =	vor.u32 v3, v4  }
0x189: {  	v3 =	vperm.xlane v3, v0;
	_ =	sdelay $0x1  }
0x18a: {  	v3 =	vadd.s32 v1, v3;
	_ =	sdelay $0x3  }
0x18b: {  	s19 =	simm.s32 $0x19A00  }
0x18c: {  	[tilespmem:s19], [sflag:$0x1] =	stream.indirect_vreg.gather [hbm4b:s1+s3], $0x80, v3, vm0, $0xb8;
	[tilespmem:$0x1B200] =	vst v63  }
0x18d: {  	s19 =	simm.s32 $0x1A200  }
0x18e: {  	[tilespmem:s19], [sflag:$0x1] =	stream.indirect_vreg.gather [hbm4b:s5+s3], $0x80, v3, vm0, $0xb8;
	[tilespmem:$0x1B200] =	vst v63  }
0x18f: {  	s19 =	simm.s32 $0x1AA00  }
0x190: {  	[tilespmem:s19], [sflag:$0x1] =	stream.indirect_vreg.gather [hbm4b:s6+s3], $0x80, v3, vm0, $0xb8;
	[tilespmem:$0x1B200] =	vst v63  }
0x191: {  	_ =	swait.ge [sflag:s13], $0xD800  }
0x192: {  	[sflag:s13] =	ssyncset.done $0x0  }
0x193: {  	s2 =	rddreg [dreg:$0x7];
	[sflag:s13] =	ssyncadd.s32 $0xFFFF2800  }
0x194: {  	[hbm4b:s2+s3] =	stream.linear.scatter [tilespmem:s0], [sflag:$0x2], $0xD800, $0x38;
	[tilespmem:$0x1B200] =	vst v63  }
0x195: {  	p0 =	sne.s32 s7, $0x1;
	_ =	swait.ge [sflag:s18], $0xD800  }
.Ltmp0:
0x196: {  	[sflag:s18] =	ssyncset.done $0x0;
	(pc) =	sbr.rel @p0 .LBB2_1-.Ltmp0, $4  }
0x197: {  	[sflag:s18] =	ssyncadd.s32 $0xFFFF2800  }
0x198: {  	_ =	swait.ge [sflag:s18], $0xD800  }
0x199: {  	[sflag:s18] =	ssyncset.done $0x0  }
0x19a: {  	s7 =	sadd.s32 $0xFFFFFFFF, s7;
	[sflag:s18] =	ssyncadd.s32 $0xFFFF2800  }
0x19b: {  	_ =	sfence.sel $0x180000  }
0x19c: {  	[bflag:$0x0] =	sbarrier.arrive $0xFFFF  }
0x19d: {  	_ =	strace $0x90000047  }
0x19e: {  	s0 =	stileid.u32;
	[bflag:$0x2] =	sbarrier.arrive $0xFFFF  }
0x19f: {  	p0 =	sne.s32 s0, $0x0;
	s0 =	rddreg [dreg:$0x3]  }
0x1a0: {  	s0 =	sadd.s32 @!p0 $0x100000, s0  }
0x1a1: {  	[sflag:s0] =	ssyncadd.tile.s32 @!p0 $0x1;
	_ =	shalt  }
.Lfunc_end2:
_tile_overlayer_lowered:
.L_overlay_start_2:
0x1a2: {  	(tag) =	ssettag $0x2  }
0x1a3: {  	s0 =	rddreg [dreg:$0x0];
	s2 =	stileid.u32  }
0x1a4: {  	s1 =	rddreg [dreg:$0x1];
	p0 =	sne.s32 s2, $0x0  }
0x1a5: {  	s3 =	rddreg [dreg:$0x2];
	[bflag:$0x3] =	sbarrier.arrive $0xFFFF;
	s2 =	simm.s32 @!p0 $0x1C03  }
0x1a6: {  	[timem:s3], [sflag:s2] =	dma.local @!p0 [hbm:s0], s1  }
0x1a7: {  	s0 =	simm.s32 @!p0 $0x3  }
0x1a8: {  	_ =	swait.ge @!p0 [sflag:s0], s1  }
0x1a9: {  	s1 =	ssub.s32 @!p0 $0x0, s1;
	[sflag:s0] =	ssyncset.done @!p0 $0x0  }
0x1aa: {  	[sflag:s0] =	ssyncadd.s32 @!p0 s1  }
0x1ab: {  	[bflag:$0x3] =	sbarrier.arrive $0xFFFF  }
0x1ac: {  	_ =	shalt  }

</sc_bundles>
